<compile_context>
chip_gen: v7x
topology: tpu7x:2x2x1
jax: 0.10.2.dev20260603
libtpu: 0.0.44.dev20260713+nightly
codegen_flags: <defaults>
</compile_context>

<pallas_src>
import functools

import jax
import jax.numpy as jnp
from jax import lax
from jax.experimental import pallas as pl
from jax.experimental.pallas import tpu as pltpu
from jax.experimental.pallas import tpu_sc as plsc

N_ROWS = 65536
C = 10
NC = 2
NS = 16
L = 16
NW = NC * NS
ROWS_PER_W = N_ROWS // NW
BLOCKS = ROWS_PER_W // L

_mesh = plsc.VectorSubcoreMesh(core_axis_name="c", subcore_axis_name="s")


@functools.partial(
    pl.kernel,
    out_type=jax.ShapeDtypeStruct((NW * L,), jnp.float32),
    mesh=_mesh,
    compiler_params=pltpu.CompilerParams(needs_layout_passes=False),
    scratch_types=[
        pltpu.VMEM((C, ROWS_PER_W), jnp.float32),
        pltpu.VMEM((ROWS_PER_W,), jnp.int32),
        pltpu.VMEM((C, C), jnp.float32),
        pltpu.VMEM((L,), jnp.float32),
        pltpu.SemaphoreType.DMA,
        pltpu.SemaphoreType.DMA,
    ],
)
def _sc_loss(ypt_hbm, yt_hbm, ord_hbm, out_hbm, ypv, ytv, ordv, accv,
             sem0, yt_sem):
    wid = lax.axis_index("s") * NC + lax.axis_index("c")
    row0 = wid * ROWS_PER_W
    yp_copy = pltpu.async_copy(
        ypt_hbm.at[:, pl.ds(row0, ROWS_PER_W)], ypv, sem0
    )
    yt_copy = pltpu.async_copy(
        yt_hbm.at[pl.ds(row0, ROWS_PER_W)], ytv, yt_sem
    )
    pltpu.sync_copy(ord_hbm, ordv)

    cidx = jnp.minimum(lax.iota(jnp.int32, L), C - 1)
    wcols = []
    for j in range(C):
        m = plsc.load_gather(ordv, [cidx, jnp.full((L,), j, jnp.int32)])
        wcols.append(m * m * (1.0 / N_ROWS))

    yp_copy.wait()
    yt_copy.wait()

    @plsc.parallel_loop(0, BLOCKS, unroll=2,
                        carry=(jnp.zeros((L,), jnp.float32),) * C)
    def body(b, acc_in):
        yt = ytv[pl.ds(b * L, L)]
        out = []
        for j in range(C):
            v = ypv[j, pl.ds(b * L, L)]
            w = wcols[j].at[yt].get(mode="promise_in_bounds")
            out.append(acc_in[j] + (v * v) * w)
        return tuple(out)

    accs = body
    total = accs[0]
    for a in accs[1:]:
        total = total + a
    accv[...] = total
    pltpu.sync_copy(accv, out_hbm.at[pl.ds(wid * L, L)])


def kernel(y_pred, y_true, ordinal_matrix):
    partials = _sc_loss(y_pred.T, y_true, ordinal_matrix)
    return jnp.sum(partials)

# --- scband reference (transcript-rebuilt; emitter-appended) ---
"""Pipeline reference for scband-sinim-loss-63720134803979 (READ-ONLY COPY).

The authoritative reference and input builder live on the scoring server;
editing this copy changes nothing except your own understanding.
"""

import jax, jax.numpy as jnp
import numpy as np

N_CLASSES = 10
N = 65536


def _build_ordinal_matrix():
    # Mirror SinimLoss.__init__: start from |i-j| cost matrix, add 1, zero the diagonal.
    idx = jnp.arange(N_CLASSES)
    base = jnp.abs(idx[:, None] - idx[None, :]).astype(jnp.float32)
    m = base + 1.0
    m = m.at[idx, idx].set(0.0)
    return m


def setup_inputs(seed: int = 0) -> dict:
    key = jax.random.key(seed)
    k1, k2 = jax.random.split(key)
    y_pred = jax.random.normal(k1, (N, N_CLASSES), dtype=jnp.float32)
    y_true = jax.random.randint(k2, (N,), 0, N_CLASSES, dtype=jnp.int64 if jax.config.jax_enable_x64 else jnp.int32).astype(jnp.int32)
    ordinal_matrix = _build_ordinal_matrix()
    return {"y_pred": y_pred, "y_true": y_true, "ordinal_matrix": ordinal_matrix}


def reference(y_pred, y_true, ordinal_matrix):
    # weights = ordinal_matrix[y_true]  (row gather by class label)
    weights = jnp.take(ordinal_matrix, y_true, axis=0)
    # Note: the torch code computes F.one_hot(y_true) but never uses it; the returned
    # value depends only on (y_pred * weights)**2, so we reproduce exactly that.
    return jnp.sum((y_pred * weights) ** 2) / y_pred.shape[0]

if __name__ == "__main__":
    import jax
    _d = setup_inputs()
    print(jax.jit(kernel)(*tuple(_d.values())))

</pallas_src>

<mosaic_0001>
#map = affine_map<(d0, d1) -> (0, 0)>
#map1 = affine_map<(d0, d1) -> (0)>
module attributes {stable_mosaic.version = 14 : i64} {
  func.func @_sc_loss(%arg0: i32, %arg1: i32, %arg2: memref<10x65536xf32, #tpu.memory_space<hbm>>, %arg3: memref<65536xi32, #tpu.memory_space<hbm>>, %arg4: memref<10x10xf32, #tpu.memory_space<hbm>>, %arg5: memref<512xf32, #tpu.memory_space<hbm>>, %arg6: memref<10x2048xf32, #tpu.memory_space<vmem>>, %arg7: memref<2048xi32, #tpu.memory_space<vmem>>, %arg8: memref<10x10xf32, #tpu.memory_space<vmem>>, %arg9: memref<16xf32, #tpu.memory_space<vmem>>, %arg10: memref<!tpu.dma_semaphore, #tpu.memory_space<semaphore_mem>>, %arg11: memref<!tpu.dma_semaphore, #tpu.memory_space<semaphore_mem>>) attributes {dimension_semantics = [#tpu.dimension_semantics<core_parallel>, #tpu.dimension_semantics<subcore_parallel>], iteration_bounds = array<i64: 2, 16>, scalar_prefetch = 0 : i64, scratch_operands = 6 : i64, tpu.core_type = #tpu.core_type<sc_vector_subcore>, window_params = [{transform_indices = #map}, {transform_indices = #map1}, {transform_indices = #map}, {transform_indices = #map1}]} {
    %mul3A = arith.constant 2 : i32
    %mul3A_0 = arith.muli %arg1, %mul3A : i32
    %add3A = arith.addi %mul3A_0, %arg0 : i32
    %mul3A_1 = arith.constant 2048 : i32
    %mul3A_2 = arith.muli %add3A, %mul3A_1 : i32
    %dma_start3A = arith.constant 0 : i32
    %dma_start3A_3 = tpu.memref_slice %arg2[%dma_start3A, %mul3A_2] : memref<10x65536xf32, #tpu.memory_space<hbm>> -> memref<10x2048xf32, #tpu.memory_space<hbm>>
    %dma_start3A_4 = arith.constant 0 : i32
    %dma_start3A_5 = tpu.memref_slice %arg2[%dma_start3A_4, %mul3A_2] : memref<10x65536xf32, #tpu.memory_space<hbm>> -> memref<10x2048xf32, #tpu.memory_space<hbm>>
    tpu.enqueue_dma source(%dma_start3A_5 : memref<10x2048xf32, #tpu.memory_space<hbm>>) target(%arg6 : memref<10x2048xf32, #tpu.memory_space<vmem>>) target_semaphore(%arg10 : memref<!tpu.dma_semaphore, #tpu.memory_space<semaphore_mem>>)
    %dma_start3A_6 = tpu.memref_slice %arg3[%mul3A_2] : memref<65536xi32, #tpu.memory_space<hbm>> -> memref<2048xi32, #tpu.memory_space<hbm>>
    %dma_start3A_7 = tpu.memref_slice %arg3[%mul3A_2] : memref<65536xi32, #tpu.memory_space<hbm>> -> memref<2048xi32, #tpu.memory_space<hbm>>
    tpu.enqueue_dma source(%dma_start3A_7 : memref<2048xi32, #tpu.memory_space<hbm>>) target(%arg7 : memref<2048xi32, #tpu.memory_space<vmem>>) target_semaphore(%arg11 : memref<!tpu.dma_semaphore, #tpu.memory_space<semaphore_mem>>)
    "tpu.region"() ({
      %run_scoped3A = tpu.sem_alloc : memref<!tpu.dma_semaphore, #tpu.memory_space<semaphore_mem>>
      tpu.enqueue_dma source(%arg4 : memref<10x10xf32, #tpu.memory_space<hbm>>) target(%arg8 : memref<10x10xf32, #tpu.memory_space<vmem>>) target_semaphore(%run_scoped3A : memref<!tpu.dma_semaphore, #tpu.memory_space<semaphore_mem>>)
      tpu.wait_dma2 semaphore(%run_scoped3A : memref<!tpu.dma_semaphore, #tpu.memory_space<semaphore_mem>>) src(%arg4 : memref<10x10xf32, #tpu.memory_space<hbm>>) dst(%arg8 : memref<10x10xf32, #tpu.memory_space<vmem>>)
      tpu.yield
    }) : () -> ()
    %iota3A = tpu.iota {dimensions = array<i32: 0>} : vector<16xi32>
    %min3A = arith.constant 9 : i32
    %min3A_8 = vector.broadcast %min3A : i32 to vector<16xi32>
    %min3A_9 = arith.minsi %iota3A, %min3A_8 : vector<16xi32>
    %broadcast_in_dim3A = arith.constant 0 : i32
    %broadcast_in_dim3A_10 = vector.broadcast %broadcast_in_dim3A : i32 to vector<16xi32>
    %gather3A = tpu.vector_load_idx %arg8[%min3A_9, %broadcast_in_dim3A_10] : memref<10x10xf32, #tpu.memory_space<vmem>>[vector<16xi32>, vector<16xi32>], vector<16xf32>,
    %mul3A_11 = arith.mulf %gather3A, %gather3A : vector<16xf32>
    %mul3A_12 = arith.constant 1.52587891E-5 : f32
    %mul3A_13 = vector.broadcast %mul3A_12 : f32 to vector<16xf32>
    %mul3A_14 = arith.mulf %mul3A_11, %mul3A_13 : vector<16xf32>
    %broadcast_in_dim3A_15 = arith.constant 1 : i32
    %broadcast_in_dim3A_16 = vector.broadcast %broadcast_in_dim3A_15 : i32 to vector<16xi32>
    %gather3A_17 = tpu.vector_load_idx %arg8[%min3A_9, %broadcast_in_dim3A_16] : memref<10x10xf32, #tpu.memory_space<vmem>>[vector<16xi32>, vector<16xi32>], vector<16xf32>,
    %mul3A_18 = arith.mulf %gather3A_17, %gather3A_17 : vector<16xf32>
    %mul3A_19 = arith.constant 1.52587891E-5 : f32
    %mul3A_20 = vector.broadcast %mul3A_19 : f32 to vector<16xf32>
    %mul3A_21 = arith.mulf %mul3A_18, %mul3A_20 : vector<16xf32>
    %broadcast_in_dim3A_22 = arith.constant 2 : i32
    %broadcast_in_dim3A_23 = vector.broadcast %broadcast_in_dim3A_22 : i32 to vector<16xi32>
    %gather3A_24 = tpu.vector_load_idx %arg8[%min3A_9, %broadcast_in_dim3A_23] : memref<10x10xf32, #tpu.memory_space<vmem>>[vector<16xi32>, vector<16xi32>], vector<16xf32>,
    %mul3A_25 = arith.mulf %gather3A_24, %gather3A_24 : vector<16xf32>
    %mul3A_26 = arith.constant 1.52587891E-5 : f32
    %mul3A_27 = vector.broadcast %mul3A_26 : f32 to vector<16xf32>
    %mul3A_28 = arith.mulf %mul3A_25, %mul3A_27 : vector<16xf32>
    %broadcast_in_dim3A_29 = arith.constant 3 : i32
    %broadcast_in_dim3A_30 = vector.broadcast %broadcast_in_dim3A_29 : i32 to vector<16xi32>
    %gather3A_31 = tpu.vector_load_idx %arg8[%min3A_9, %broadcast_in_dim3A_30] : memref<10x10xf32, #tpu.memory_space<vmem>>[vector<16xi32>, vector<16xi32>], vector<16xf32>,
    %mul3A_32 = arith.mulf %gather3A_31, %gather3A_31 : vector<16xf32>
    %mul3A_33 = arith.constant 1.52587891E-5 : f32
    %mul3A_34 = vector.broadcast %mul3A_33 : f32 to vector<16xf32>
    %mul3A_35 = arith.mulf %mul3A_32, %mul3A_34 : vector<16xf32>
    %broadcast_in_dim3A_36 = arith.constant 4 : i32
    %broadcast_in_dim3A_37 = vector.broadcast %broadcast_in_dim3A_36 : i32 to vector<16xi32>
    %gather3A_38 = tpu.vector_load_idx %arg8[%min3A_9, %broadcast_in_dim3A_37] : memref<10x10xf32, #tpu.memory_space<vmem>>[vector<16xi32>, vector<16xi32>], vector<16xf32>,
    %mul3A_39 = arith.mulf %gather3A_38, %gather3A_38 : vector<16xf32>
    %mul3A_40 = arith.constant 1.52587891E-5 : f32
    %mul3A_41 = vector.broadcast %mul3A_40 : f32 to vector<16xf32>
    %mul3A_42 = arith.mulf %mul3A_39, %mul3A_41 : vector<16xf32>
    %broadcast_in_dim3A_43 = arith.constant 5 : i32
    %broadcast_in_dim3A_44 = vector.broadcast %broadcast_in_dim3A_43 : i32 to vector<16xi32>
    %gather3A_45 = tpu.vector_load_idx %arg8[%min3A_9, %broadcast_in_dim3A_44] : memref<10x10xf32, #tpu.memory_space<vmem>>[vector<16xi32>, vector<16xi32>], vector<16xf32>,
    %mul3A_46 = arith.mulf %gather3A_45, %gather3A_45 : vector<16xf32>
    %mul3A_47 = arith.constant 1.52587891E-5 : f32
    %mul3A_48 = vector.broadcast %mul3A_47 : f32 to vector<16xf32>
    %mul3A_49 = arith.mulf %mul3A_46, %mul3A_48 : vector<16xf32>
    %broadcast_in_dim3A_50 = arith.constant 6 : i32
    %broadcast_in_dim3A_51 = vector.broadcast %broadcast_in_dim3A_50 : i32 to vector<16xi32>
    %gather3A_52 = tpu.vector_load_idx %arg8[%min3A_9, %broadcast_in_dim3A_51] : memref<10x10xf32, #tpu.memory_space<vmem>>[vector<16xi32>, vector<16xi32>], vector<16xf32>,
    %mul3A_53 = arith.mulf %gather3A_52, %gather3A_52 : vector<16xf32>
    %mul3A_54 = arith.constant 1.52587891E-5 : f32
    %mul3A_55 = vector.broadcast %mul3A_54 : f32 to vector<16xf32>
    %mul3A_56 = arith.mulf %mul3A_53, %mul3A_55 : vector<16xf32>
    %broadcast_in_dim3A_57 = arith.constant 7 : i32
    %broadcast_in_dim3A_58 = vector.broadcast %broadcast_in_dim3A_57 : i32 to vector<16xi32>
    %gather3A_59 = tpu.vector_load_idx %arg8[%min3A_9, %broadcast_in_dim3A_58] : memref<10x10xf32, #tpu.memory_space<vmem>>[vector<16xi32>, vector<16xi32>], vector<16xf32>,
    %mul3A_60 = arith.mulf %gather3A_59, %gather3A_59 : vector<16xf32>
    %mul3A_61 = arith.constant 1.52587891E-5 : f32
    %mul3A_62 = vector.broadcast %mul3A_61 : f32 to vector<16xf32>
    %mul3A_63 = arith.mulf %mul3A_60, %mul3A_62 : vector<16xf32>
    %broadcast_in_dim3A_64 = arith.constant 8 : i32
    %broadcast_in_dim3A_65 = vector.broadcast %broadcast_in_dim3A_64 : i32 to vector<16xi32>
    %gather3A_66 = tpu.vector_load_idx %arg8[%min3A_9, %broadcast_in_dim3A_65] : memref<10x10xf32, #tpu.memory_space<vmem>>[vector<16xi32>, vector<16xi32>], vector<16xf32>,
    %mul3A_67 = arith.mulf %gather3A_66, %gather3A_66 : vector<16xf32>
    %mul3A_68 = arith.constant 1.52587891E-5 : f32
    %mul3A_69 = vector.broadcast %mul3A_68 : f32 to vector<16xf32>
    %mul3A_70 = arith.mulf %mul3A_67, %mul3A_69 : vector<16xf32>
    %broadcast_in_dim3A_71 = arith.constant 9 : i32
    %broadcast_in_dim3A_72 = vector.broadcast %broadcast_in_dim3A_71 : i32 to vector<16xi32>
    %gather3A_73 = tpu.vector_load_idx %arg8[%min3A_9, %broadcast_in_dim3A_72] : memref<10x10xf32, #tpu.memory_space<vmem>>[vector<16xi32>, vector<16xi32>], vector<16xf32>,
    %mul3A_74 = arith.mulf %gather3A_73, %gather3A_73 : vector<16xf32>
    %mul3A_75 = arith.constant 1.52587891E-5 : f32
    %mul3A_76 = vector.broadcast %mul3A_75 : f32 to vector<16xf32>
    %mul3A_77 = arith.mulf %mul3A_74, %mul3A_76 : vector<16xf32>
    %dma_wait3A = arith.constant 0 : i32
    %dma_wait3A_78 = tpu.memref_slice %arg2[%dma_wait3A, %mul3A_2] : memref<10x65536xf32, #tpu.memory_space<hbm>> -> memref<10x2048xf32, #tpu.memory_space<hbm>>
    %dma_wait3A_79 = arith.constant 0 : i32
    %dma_wait3A_80 = tpu.memref_slice %arg2[%dma_wait3A_79, %mul3A_2] : memref<10x65536xf32, #tpu.memory_space<hbm>> -> memref<10x2048xf32, #tpu.memory_space<hbm>>
    tpu.wait_dma2 semaphore(%arg10 : memref<!tpu.dma_semaphore, #tpu.memory_space<semaphore_mem>>) src(%dma_wait3A_80 : memref<10x2048xf32, #tpu.memory_space<hbm>>) dst(%arg6 : memref<10x2048xf32, #tpu.memory_space<vmem>>)
    %dma_wait3A_81 = tpu.memref_slice %arg3[%mul3A_2] : memref<65536xi32, #tpu.memory_space<hbm>> -> memref<2048xi32, #tpu.memory_space<hbm>>
    %dma_wait3A_82 = tpu.memref_slice %arg3[%mul3A_2] : memref<65536xi32, #tpu.memory_space<hbm>> -> memref<2048xi32, #tpu.memory_space<hbm>>
    tpu.wait_dma2 semaphore(%arg11 : memref<!tpu.dma_semaphore, #tpu.memory_space<semaphore_mem>>) src(%dma_wait3A_82 : memref<2048xi32, #tpu.memory_space<hbm>>) dst(%arg7 : memref<2048xi32, #tpu.memory_space<vmem>>)
    %broadcast_in_dim3A_83 = arith.constant 0.000000e+00 : f32
    %broadcast_in_dim3A_84 = vector.broadcast %broadcast_in_dim3A_83 : f32 to vector<16xf32>
    %parallel_loop3A = arith.constant 0 : i32
    %parallel_loop3A_85 = arith.constant 128 : i32
    %parallel_loop3A_86 = arith.constant 1 : i32
    %parallel_loop3A_87:10 = scf.for %parallel_loop3A_100 = %parallel_loop3A to %parallel_loop3A_85 step %parallel_loop3A_86 iter_args(%parallel_loop3A_101 = %broadcast_in_dim3A_84, %parallel_loop3A_102 = %broadcast_in_dim3A_84, %parallel_loop3A_103 = %broadcast_in_dim3A_84, %parallel_loop3A_104 = %broadcast_in_dim3A_84, %parallel_loop3A_105 = %broadcast_in_dim3A_84, %parallel_loop3A_106 = %broadcast_in_dim3A_84, %parallel_loop3A_107 = %broadcast_in_dim3A_84, %parallel_loop3A_108 = %broadcast_in_dim3A_84, %parallel_loop3A_109 = %broadcast_in_dim3A_84, %parallel_loop3A_110 = %broadcast_in_dim3A_84) -> (vector<16xf32>, vector<16xf32>, vector<16xf32>, vector<16xf32>, vector<16xf32>, vector<16xf32>, vector<16xf32>, vector<16xf32>, vector<16xf32>, vector<16xf32>)  : i32 {
      %parallel_loop3A_111 = arith.constant 16 : i32
      %parallel_loop3A_112 = arith.muli %parallel_loop3A_100, %parallel_loop3A_111 : i32
      %parallel_loop3A_113 = arith.index_cast %parallel_loop3A_112 : i32 to index
      %parallel_loop3A_114 = tpu.vector_load %arg7[%parallel_loop3A_113] {strides = array<i32>} : memref<2048xi32, #tpu.memory_space<vmem>>, vector<16xi32>,
      %parallel_loop3A_115 = arith.constant 16 : i32
      %parallel_loop3A_116 = arith.muli %parallel_loop3A_100, %parallel_loop3A_115 : i32
      %parallel_loop3A_117 = arith.constant 0 : i32
      %parallel_loop3A_118 = arith.index_cast %parallel_loop3A_117 : i32 to index
      %parallel_loop3A_119 = arith.index_cast %parallel_loop3A_116 : i32 to index
      %parallel_loop3A_120 = tpu.vector_load %arg6[%parallel_loop3A_118, %parallel_loop3A_119] {strides = array<i32>} : memref<10x2048xf32, #tpu.memory_space<vmem>>, vector<16xf32>,
      %parallel_loop3A_121 = arith.constant 0 : i32
      %parallel_loop3A_122 = vector.broadcast %parallel_loop3A_121 : i32 to vector<16xi32>
      %parallel_loop3A_123 = arith.cmpi slt, %parallel_loop3A_114, %parallel_loop3A_122 : vector<16xi32>
      %parallel_loop3A_124 = arith.constant 16 : i32
      %parallel_loop3A_125 = vector.broadcast %parallel_loop3A_124 : i32 to vector<16xi32>
      %parallel_loop3A_126 = arith.addi %parallel_loop3A_114, %parallel_loop3A_125 : vector<16xi32>
      %parallel_loop3A_127 = arith.select %parallel_loop3A_123, %parallel_loop3A_126, %parallel_loop3A_114 : vector<16xi1>, vector<16xi32>
      %parallel_loop3A_128 = vector.shape_cast %parallel_loop3A_127 : vector<16xi32> to vector<16x1xi32>
      %parallel_loop3A_129 = vector.shape_cast %parallel_loop3A_128 : vector<16x1xi32> to vector<16xi32>
      %parallel_loop3A_130 = tpu.dynamic_gather %mul3A_14[%parallel_loop3A_129] in [0] : vector<16xf32>, vector<16xi32> -> vector<16xf32>
      %parallel_loop3A_131 = arith.mulf %parallel_loop3A_120, %parallel_loop3A_120 : vector<16xf32>
      %parallel_loop3A_132 = arith.mulf %parallel_loop3A_131, %parallel_loop3A_130 : vector<16xf32>
      %parallel_loop3A_133 = arith.addf %parallel_loop3A_101, %parallel_loop3A_132 : vector<16xf32>
      %parallel_loop3A_134 = arith.constant 16 : i32
      %parallel_loop3A_135 = arith.muli %parallel_loop3A_100, %parallel_loop3A_134 : i32
      %parallel_loop3A_136 = arith.constant 1 : i32
      %parallel_loop3A_137 = arith.index_cast %parallel_loop3A_136 : i32 to index
      %parallel_loop3A_138 = arith.index_cast %parallel_loop3A_135 : i32 to index
      %parallel_loop3A_139 = tpu.vector_load %arg6[%parallel_loop3A_137, %parallel_loop3A_138] {strides = array<i32>} : memref<10x2048xf32, #tpu.memory_space<vmem>>, vector<16xf32>,
      %parallel_loop3A_140 = arith.constant 0 : i32
      %parallel_loop3A_141 = vector.broadcast %parallel_loop3A_140 : i32 to vector<16xi32>
      %parallel_loop3A_142 = arith.cmpi slt, %parallel_loop3A_114, %parallel_loop3A_141 : vector<16xi32>
      %parallel_loop3A_143 = arith.constant 16 : i32
      %parallel_loop3A_144 = vector.broadcast %parallel_loop3A_143 : i32 to vector<16xi32>
      %parallel_loop3A_145 = arith.addi %parallel_loop3A_114, %parallel_loop3A_144 : vector<16xi32>
      %parallel_loop3A_146 = arith.select %parallel_loop3A_142, %parallel_loop3A_145, %parallel_loop3A_114 : vector<16xi1>, vector<16xi32>
      %parallel_loop3A_147 = vector.shape_cast %parallel_loop3A_146 : vector<16xi32> to vector<16x1xi32>
      %parallel_loop3A_148 = vector.shape_cast %parallel_loop3A_147 : vector<16x1xi32> to vector<16xi32>
      %parallel_loop3A_149 = tpu.dynamic_gather %mul3A_21[%parallel_loop3A_148] in [0] : vector<16xf32>, vector<16xi32> -> vector<16xf32>
      %parallel_loop3A_150 = arith.mulf %parallel_loop3A_139, %parallel_loop3A_139 : vector<16xf32>
      %parallel_loop3A_151 = arith.mulf %parallel_loop3A_150, %parallel_loop3A_149 : vector<16xf32>
      %parallel_loop3A_152 = arith.addf %parallel_loop3A_102, %parallel_loop3A_151 : vector<16xf32>
      %parallel_loop3A_153 = arith.constant 16 : i32
      %parallel_loop3A_154 = arith.muli %parallel_loop3A_100, %parallel_loop3A_153 : i32
      %parallel_loop3A_155 = arith.constant 2 : i32
      %parallel_loop3A_156 = arith.index_cast %parallel_loop3A_155 : i32 to index
      %parallel_loop3A_157 = arith.index_cast %parallel_loop3A_154 : i32 to index
      %parallel_loop3A_158 = tpu.vector_load %arg6[%parallel_loop3A_156, %parallel_loop3A_157] {strides = array<i32>} : memref<10x2048xf32, #tpu.memory_space<vmem>>, vector<16xf32>,
      %parallel_loop3A_159 = arith.constant 0 : i32
      %parallel_loop3A_160 = vector.broadcast %parallel_loop3A_159 : i32 to vector<16xi32>
      %parallel_loop3A_161 = arith.cmpi slt, %parallel_loop3A_114, %parallel_loop3A_160 : vector<16xi32>
      %parallel_loop3A_162 = arith.constant 16 : i32
      %parallel_loop3A_163 = vector.broadcast %parallel_loop3A_162 : i32 to vector<16xi32>
      %parallel_loop3A_164 = arith.addi %parallel_loop3A_114, %parallel_loop3A_163 : vector<16xi32>
      %parallel_loop3A_165 = arith.select %parallel_loop3A_161, %parallel_loop3A_164, %parallel_loop3A_114 : vector<16xi1>, vector<16xi32>
      %parallel_loop3A_166 = vector.shape_cast %parallel_loop3A_165 : vector<16xi32> to vector<16x1xi32>
      %parallel_loop3A_167 = vector.shape_cast %parallel_loop3A_166 : vector<16x1xi32> to vector<16xi32>
      %parallel_loop3A_168 = tpu.dynamic_gather %mul3A_28[%parallel_loop3A_167] in [0] : vector<16xf32>, vector<16xi32> -> vector<16xf32>
      %parallel_loop3A_169 = arith.mulf %parallel_loop3A_158, %parallel_loop3A_158 : vector<16xf32>
      %parallel_loop3A_170 = arith.mulf %parallel_loop3A_169, %parallel_loop3A_168 : vector<16xf32>
      %parallel_loop3A_171 = arith.addf %parallel_loop3A_103, %parallel_loop3A_170 : vector<16xf32>
      %parallel_loop3A_172 = arith.constant 16 : i32
      %parallel_loop3A_173 = arith.muli %parallel_loop3A_100, %parallel_loop3A_172 : i32
      %parallel_loop3A_174 = arith.constant 3 : i32
      %parallel_loop3A_175 = arith.index_cast %parallel_loop3A_174 : i32 to index
      %parallel_loop3A_176 = arith.index_cast %parallel_loop3A_173 : i32 to index
      %parallel_loop3A_177 = tpu.vector_load %arg6[%parallel_loop3A_175, %parallel_loop3A_176] {strides = array<i32>} : memref<10x2048xf32, #tpu.memory_space<vmem>>, vector<16xf32>,
      %parallel_loop3A_178 = arith.constant 0 : i32
      %parallel_loop3A_179 = vector.broadcast %parallel_loop3A_178 : i32 to vector<16xi32>
      %parallel_loop3A_180 = arith.cmpi slt, %parallel_loop3A_114, %parallel_loop3A_179 : vector<16xi32>
      %parallel_loop3A_181 = arith.constant 16 : i32
      %parallel_loop3A_182 = vector.broadcast %parallel_loop3A_181 : i32 to vector<16xi32>
      %parallel_loop3A_183 = arith.addi %parallel_loop3A_114, %parallel_loop3A_182 : vector<16xi32>
      %parallel_loop3A_184 = arith.select %parallel_loop3A_180, %parallel_loop3A_183, %parallel_loop3A_114 : vector<16xi1>, vector<16xi32>
      %parallel_loop3A_185 = vector.shape_cast %parallel_loop3A_184 : vector<16xi32> to vector<16x1xi32>
      %parallel_loop3A_186 = vector.shape_cast %parallel_loop3A_185 : vector<16x1xi32> to vector<16xi32>
      %parallel_loop3A_187 = tpu.dynamic_gather %mul3A_35[%parallel_loop3A_186] in [0] : vector<16xf32>, vector<16xi32> -> vector<16xf32>
      %parallel_loop3A_188 = arith.mulf %parallel_loop3A_177, %parallel_loop3A_177 : vector<16xf32>
      %parallel_loop3A_189 = arith.mulf %parallel_loop3A_188, %parallel_loop3A_187 : vector<16xf32>
      %parallel_loop3A_190 = arith.addf %parallel_loop3A_104, %parallel_loop3A_189 : vector<16xf32>
      %parallel_loop3A_191 = arith.constant 16 : i32
      %parallel_loop3A_192 = arith.muli %parallel_loop3A_100, %parallel_loop3A_191 : i32
      %parallel_loop3A_193 = arith.constant 4 : i32
      %parallel_loop3A_194 = arith.index_cast %parallel_loop3A_193 : i32 to index
      %parallel_loop3A_195 = arith.index_cast %parallel_loop3A_192 : i32 to index
      %parallel_loop3A_196 = tpu.vector_load %arg6[%parallel_loop3A_194, %parallel_loop3A_195] {strides = array<i32>} : memref<10x2048xf32, #tpu.memory_space<vmem>>, vector<16xf32>,
      %parallel_loop3A_197 = arith.constant 0 : i32
      %parallel_loop3A_198 = vector.broadcast %parallel_loop3A_197 : i32 to vector<16xi32>
      %parallel_loop3A_199 = arith.cmpi slt, %parallel_loop3A_114, %parallel_loop3A_198 : vector<16xi32>
      %parallel_loop3A_200 = arith.constant 16 : i32
      %parallel_loop3A_201 = vector.broadcast %parallel_loop3A_200 : i32 to vector<16xi32>
      %parallel_loop3A_202 = arith.addi %parallel_loop3A_114, %parallel_loop3A_201 : vector<16xi32>
      %parallel_loop3A_203 = arith.select %parallel_loop3A_199, %parallel_loop3A_202, %parallel_loop3A_114 : vector<16xi1>, vector<16xi32>
      %parallel_loop3A_204 = vector.shape_cast %parallel_loop3A_203 : vector<16xi32> to vector<16x1xi32>
      %parallel_loop3A_205 = vector.shape_cast %parallel_loop3A_204 : vector<16x1xi32> to vector<16xi32>
      %parallel_loop3A_206 = tpu.dynamic_gather %mul3A_42[%parallel_loop3A_205] in [0] : vector<16xf32>, vector<16xi32> -> vector<16xf32>
      %parallel_loop3A_207 = arith.mulf %parallel_loop3A_196, %parallel_loop3A_196 : vector<16xf32>
      %parallel_loop3A_208 = arith.mulf %parallel_loop3A_207, %parallel_loop3A_206 : vector<16xf32>
      %parallel_loop3A_209 = arith.addf %parallel_loop3A_105, %parallel_loop3A_208 : vector<16xf32>
      %parallel_loop3A_210 = arith.constant 16 : i32
      %parallel_loop3A_211 = arith.muli %parallel_loop3A_100, %parallel_loop3A_210 : i32
      %parallel_loop3A_212 = arith.constant 5 : i32
      %parallel_loop3A_213 = arith.index_cast %parallel_loop3A_212 : i32 to index
      %parallel_loop3A_214 = arith.index_cast %parallel_loop3A_211 : i32 to index
      %parallel_loop3A_215 = tpu.vector_load %arg6[%parallel_loop3A_213, %parallel_loop3A_214] {strides = array<i32>} : memref<10x2048xf32, #tpu.memory_space<vmem>>, vector<16xf32>,
      %parallel_loop3A_216 = arith.constant 0 : i32
      %parallel_loop3A_217 = vector.broadcast %parallel_loop3A_216 : i32 to vector<16xi32>
      %parallel_loop3A_218 = arith.cmpi slt, %parallel_loop3A_114, %parallel_loop3A_217 : vector<16xi32>
      %parallel_loop3A_219 = arith.constant 16 : i32
      %parallel_loop3A_220 = vector.broadcast %parallel_loop3A_219 : i32 to vector<16xi32>
      %parallel_loop3A_221 = arith.addi %parallel_loop3A_114, %parallel_loop3A_220 : vector<16xi32>
      %parallel_loop3A_222 = arith.select %parallel_loop3A_218, %parallel_loop3A_221, %parallel_loop3A_114 : vector<16xi1>, vector<16xi32>
      %parallel_loop3A_223 = vector.shape_cast %parallel_loop3A_222 : vector<16xi32> to vector<16x1xi32>
      %parallel_loop3A_224 = vector.shape_cast %parallel_loop3A_223 : vector<16x1xi32> to vector<16xi32>
      %parallel_loop3A_225 = tpu.dynamic_gather %mul3A_49[%parallel_loop3A_224] in [0] : vector<16xf32>, vector<16xi32> -> vector<16xf32>
      %parallel_loop3A_226 = arith.mulf %parallel_loop3A_215, %parallel_loop3A_215 : vector<16xf32>
      %parallel_loop3A_227 = arith.mulf %parallel_loop3A_226, %parallel_loop3A_225 : vector<16xf32>
      %parallel_loop3A_228 = arith.addf %parallel_loop3A_106, %parallel_loop3A_227 : vector<16xf32>
      %parallel_loop3A_229 = arith.constant 16 : i32
      %parallel_loop3A_230 = arith.muli %parallel_loop3A_100, %parallel_loop3A_229 : i32
      %parallel_loop3A_231 = arith.constant 6 : i32
      %parallel_loop3A_232 = arith.index_cast %parallel_loop3A_231 : i32 to index
      %parallel_loop3A_233 = arith.index_cast %parallel_loop3A_230 : i32 to index
      %parallel_loop3A_234 = tpu.vector_load %arg6[%parallel_loop3A_232, %parallel_loop3A_233] {strides = array<i32>} : memref<10x2048xf32, #tpu.memory_space<vmem>>, vector<16xf32>,
      %parallel_loop3A_235 = arith.constant 0 : i32
      %parallel_loop3A_236 = vector.broadcast %parallel_loop3A_235 : i32 to vector<16xi32>
      %parallel_loop3A_237 = arith.cmpi slt, %parallel_loop3A_114, %parallel_loop3A_236 : vector<16xi32>
      %parallel_loop3A_238 = arith.constant 16 : i32
      %parallel_loop3A_239 = vector.broadcast %parallel_loop3A_238 : i32 to vector<16xi32>
      %parallel_loop3A_240 = arith.addi %parallel_loop3A_114, %parallel_loop3A_239 : vector<16xi32>
      %parallel_loop3A_241 = arith.select %parallel_loop3A_237, %parallel_loop3A_240, %parallel_loop3A_114 : vector<16xi1>, vector<16xi32>
      %parallel_loop3A_242 = vector.shape_cast %parallel_loop3A_241 : vector<16xi32> to vector<16x1xi32>
      %parallel_loop3A_243 = vector.shape_cast %parallel_loop3A_242 : vector<16x1xi32> to vector<16xi32>
      %parallel_loop3A_244 = tpu.dynamic_gather %mul3A_56[%parallel_loop3A_243] in [0] : vector<16xf32>, vector<16xi32> -> vector<16xf32>
      %parallel_loop3A_245 = arith.mulf %parallel_loop3A_234, %parallel_loop3A_234 : vector<16xf32>
      %parallel_loop3A_246 = arith.mulf %parallel_loop3A_245, %parallel_loop3A_244 : vector<16xf32>
      %parallel_loop3A_247 = arith.addf %parallel_loop3A_107, %parallel_loop3A_246 : vector<16xf32>
      %parallel_loop3A_248 = arith.constant 16 : i32
      %parallel_loop3A_249 = arith.muli %parallel_loop3A_100, %parallel_loop3A_248 : i32
      %parallel_loop3A_250 = arith.constant 7 : i32
      %parallel_loop3A_251 = arith.index_cast %parallel_loop3A_250 : i32 to index
      %parallel_loop3A_252 = arith.index_cast %parallel_loop3A_249 : i32 to index
      %parallel_loop3A_253 = tpu.vector_load %arg6[%parallel_loop3A_251, %parallel_loop3A_252] {strides = array<i32>} : memref<10x2048xf32, #tpu.memory_space<vmem>>, vector<16xf32>,
      %parallel_loop3A_254 = arith.constant 0 : i32
      %parallel_loop3A_255 = vector.broadcast %parallel_loop3A_254 : i32 to vector<16xi32>
      %parallel_loop3A_256 = arith.cmpi slt, %parallel_loop3A_114, %parallel_loop3A_255 : vector<16xi32>
      %parallel_loop3A_257 = arith.constant 16 : i32
      %parallel_loop3A_258 = vector.broadcast %parallel_loop3A_257 : i32 to vector<16xi32>
      %parallel_loop3A_259 = arith.addi %parallel_loop3A_114, %parallel_loop3A_258 : vector<16xi32>
      %parallel_loop3A_260 = arith.select %parallel_loop3A_256, %parallel_loop3A_259, %parallel_loop3A_114 : vector<16xi1>, vector<16xi32>
      %parallel_loop3A_261 = vector.shape_cast %parallel_loop3A_260 : vector<16xi32> to vector<16x1xi32>
      %parallel_loop3A_262 = vector.shape_cast %parallel_loop3A_261 : vector<16x1xi32> to vector<16xi32>
      %parallel_loop3A_263 = tpu.dynamic_gather %mul3A_63[%parallel_loop3A_262] in [0] : vector<16xf32>, vector<16xi32> -> vector<16xf32>
      %parallel_loop3A_264 = arith.mulf %parallel_loop3A_253, %parallel_loop3A_253 : vector<16xf32>
      %parallel_loop3A_265 = arith.mulf %parallel_loop3A_264, %parallel_loop3A_263 : vector<16xf32>
      %parallel_loop3A_266 = arith.addf %parallel_loop3A_108, %parallel_loop3A_265 : vector<16xf32>
      %parallel_loop3A_267 = arith.constant 16 : i32
      %parallel_loop3A_268 = arith.muli %parallel_loop3A_100, %parallel_loop3A_267 : i32
      %parallel_loop3A_269 = arith.constant 8 : i32
      %parallel_loop3A_270 = arith.index_cast %parallel_loop3A_269 : i32 to index
      %parallel_loop3A_271 = arith.index_cast %parallel_loop3A_268 : i32 to index
      %parallel_loop3A_272 = tpu.vector_load %arg6[%parallel_loop3A_270, %parallel_loop3A_271] {strides = array<i32>} : memref<10x2048xf32, #tpu.memory_space<vmem>>, vector<16xf32>,
      %parallel_loop3A_273 = arith.constant 0 : i32
      %parallel_loop3A_274 = vector.broadcast %parallel_loop3A_273 : i32 to vector<16xi32>
      %parallel_loop3A_275 = arith.cmpi slt, %parallel_loop3A_114, %parallel_loop3A_274 : vector<16xi32>
      %parallel_loop3A_276 = arith.constant 16 : i32
      %parallel_loop3A_277 = vector.broadcast %parallel_loop3A_276 : i32 to vector<16xi32>
      %parallel_loop3A_278 = arith.addi %parallel_loop3A_114, %parallel_loop3A_277 : vector<16xi32>
      %parallel_loop3A_279 = arith.select %parallel_loop3A_275, %parallel_loop3A_278, %parallel_loop3A_114 : vector<16xi1>, vector<16xi32>
      %parallel_loop3A_280 = vector.shape_cast %parallel_loop3A_279 : vector<16xi32> to vector<16x1xi32>
      %parallel_loop3A_281 = vector.shape_cast %parallel_loop3A_280 : vector<16x1xi32> to vector<16xi32>
      %parallel_loop3A_282 = tpu.dynamic_gather %mul3A_70[%parallel_loop3A_281] in [0] : vector<16xf32>, vector<16xi32> -> vector<16xf32>
      %parallel_loop3A_283 = arith.mulf %parallel_loop3A_272, %parallel_loop3A_272 : vector<16xf32>
      %parallel_loop3A_284 = arith.mulf %parallel_loop3A_283, %parallel_loop3A_282 : vector<16xf32>
      %parallel_loop3A_285 = arith.addf %parallel_loop3A_109, %parallel_loop3A_284 : vector<16xf32>
      %parallel_loop3A_286 = arith.constant 16 : i32
      %parallel_loop3A_287 = arith.muli %parallel_loop3A_100, %parallel_loop3A_286 : i32
      %parallel_loop3A_288 = arith.constant 9 : i32
      %parallel_loop3A_289 = arith.index_cast %parallel_loop3A_288 : i32 to index
      %parallel_loop3A_290 = arith.index_cast %parallel_loop3A_287 : i32 to index
      %parallel_loop3A_291 = tpu.vector_load %arg6[%parallel_loop3A_289, %parallel_loop3A_290] {strides = array<i32>} : memref<10x2048xf32, #tpu.memory_space<vmem>>, vector<16xf32>,
      %parallel_loop3A_292 = arith.constant 0 : i32
      %parallel_loop3A_293 = vector.broadcast %parallel_loop3A_292 : i32 to vector<16xi32>
      %parallel_loop3A_294 = arith.cmpi slt, %parallel_loop3A_114, %parallel_loop3A_293 : vector<16xi32>
      %parallel_loop3A_295 = arith.constant 16 : i32
      %parallel_loop3A_296 = vector.broadcast %parallel_loop3A_295 : i32 to vector<16xi32>
      %parallel_loop3A_297 = arith.addi %parallel_loop3A_114, %parallel_loop3A_296 : vector<16xi32>
      %parallel_loop3A_298 = arith.select %parallel_loop3A_294, %parallel_loop3A_297, %parallel_loop3A_114 : vector<16xi1>, vector<16xi32>
      %parallel_loop3A_299 = vector.shape_cast %parallel_loop3A_298 : vector<16xi32> to vector<16x1xi32>
      %parallel_loop3A_300 = vector.shape_cast %parallel_loop3A_299 : vector<16x1xi32> to vector<16xi32>
      %parallel_loop3A_301 = tpu.dynamic_gather %mul3A_77[%parallel_loop3A_300] in [0] : vector<16xf32>, vector<16xi32> -> vector<16xf32>
      %parallel_loop3A_302 = arith.mulf %parallel_loop3A_291, %parallel_loop3A_291 : vector<16xf32>
      %parallel_loop3A_303 = arith.mulf %parallel_loop3A_302, %parallel_loop3A_301 : vector<16xf32>
      %parallel_loop3A_304 = arith.addf %parallel_loop3A_110, %parallel_loop3A_303 : vector<16xf32>
      scf.yield %parallel_loop3A_133, %parallel_loop3A_152, %parallel_loop3A_171, %parallel_loop3A_190, %parallel_loop3A_209, %parallel_loop3A_228, %parallel_loop3A_247, %parallel_loop3A_266, %parallel_loop3A_285, %parallel_loop3A_304 : vector<16xf32>, vector<16xf32>, vector<16xf32>, vector<16xf32>, vector<16xf32>, vector<16xf32>, vector<16xf32>, vector<16xf32>, vector<16xf32>, vector<16xf32>
    } {sc.loop_unroll_factor = 2 : i64, sc.parallel_access}
    %add3A_88 = arith.addf %parallel_loop3A_87#0, %parallel_loop3A_87#1 : vector<16xf32>
    %add3A_89 = arith.addf %add3A_88, %parallel_loop3A_87#2 : vector<16xf32>
    %add3A_90 = arith.addf %add3A_89, %parallel_loop3A_87#3 : vector<16xf32>
    %add3A_91 = arith.addf %add3A_90, %parallel_loop3A_87#4 : vector<16xf32>
    %add3A_92 = arith.addf %add3A_91, %parallel_loop3A_87#5 : vector<16xf32>
    %add3A_93 = arith.addf %add3A_92, %parallel_loop3A_87#6 : vector<16xf32>
    %add3A_94 = arith.addf %add3A_93, %parallel_loop3A_87#7 : vector<16xf32>
    %add3A_95 = arith.addf %add3A_94, %parallel_loop3A_87#8 : vector<16xf32>
    %add3A_96 = arith.addf %add3A_95, %parallel_loop3A_87#9 : vector<16xf32>
    %swap3A = arith.constant 0 : index
    %swap3A_97 = tpu.vector_load %arg9[%swap3A] {strides = array<i32>} : memref<16xf32, #tpu.memory_space<vmem>>, vector<16xf32>,
    tpu.vector_store %arg9[%swap3A], %add3A_96 {strides = array<i32>} : memref<16xf32, #tpu.memory_space<vmem>>, vector<16xf32>,
    %mul3A_98 = arith.constant 16 : i32
    %mul3A_99 = arith.muli %add3A, %mul3A_98 : i32
    "tpu.region"() ({
      %run_scoped3A = tpu.sem_alloc : memref<!tpu.dma_semaphore, #tpu.memory_space<semaphore_mem>>
      %dma_start3A_100 = tpu.memref_slice %arg5[%mul3A_99] : memref<512xf32, #tpu.memory_space<hbm>> -> memref<16xf32, #tpu.memory_space<hbm>>
      %dma_start3A_101 = tpu.memref_slice %arg5[%mul3A_99] : memref<512xf32, #tpu.memory_space<hbm>> -> memref<16xf32, #tpu.memory_space<hbm>>
      tpu.enqueue_dma source(%arg9 : memref<16xf32, #tpu.memory_space<vmem>>) target(%dma_start3A_101 : memref<16xf32, #tpu.memory_space<hbm>>) target_semaphore(%run_scoped3A : memref<!tpu.dma_semaphore, #tpu.memory_space<semaphore_mem>>)
      %dma_wait3A_102 = tpu.memref_slice %arg5[%mul3A_99] : memref<512xf32, #tpu.memory_space<hbm>> -> memref<16xf32, #tpu.memory_space<hbm>>
      %dma_wait3A_103 = tpu.memref_slice %arg5[%mul3A_99] : memref<512xf32, #tpu.memory_space<hbm>> -> memref<16xf32, #tpu.memory_space<hbm>>
      tpu.wait_dma2 semaphore(%run_scoped3A : memref<!tpu.dma_semaphore, #tpu.memory_space<semaphore_mem>>) src(%arg9 : memref<16xf32, #tpu.memory_space<vmem>>) dst(%dma_wait3A_103 : memref<16xf32, #tpu.memory_space<hbm>>)
      tpu.yield
    }) : () -> ()
    return
  }
}

</mosaic_0001>

<sc_bundles>
// kernel: kernel.3.cloned.1.call-start
scs
__scs_entry_jumppad:
0x0: {  	(pc) =	sbr.rel $0x88, $3  }
0x1: {  	(tag) =	ssettag $0x0;
	lr =	simm.s32 $0x1  }
0x2: {  	[smem:$0x3F9E] =	sst lr;
	_ =	strace $0xD0000000  }
0x3: {  	_ = 	snop  }
0x4: {  	_ = 	snop  }
0x5: {  	_ = 	snop  }
0x6: {  	_ = 	snop  }
0x7: {  	_ = 	snop  }
__scs_overlays_trampoline_lowered:
0x8: {  	[smem:$0x3FAD] =	sst s0  }
0x9: {  	[smem:$0x3FAE] =	sst s1  }
0xa: {  	[smem:$0x3FAF] =	sst s2  }
0xb: {  	[smem:$0x3FB0] =	sst s3  }
0xc: {  	[smem:$0x3FB1] =	sst s4  }
0xd: {  	[smem:$0x3FB2] =	sst s5  }
0xe: {  	[smem:$0x3FB3] =	sst s6  }
0xf: {  	[smem:$0x3FB4] =	sst s7  }
0x10: {  	[smem:$0x3FB5] =	sst s8  }
0x11: {  	[smem:$0x3FB6] =	sst s9;
	s0 =	simm.s32 @!p0 $0x0  }
0x12: {  	s1 =	sld [smem:$0x3F9C];
	s0 =	simm.s32 @p0 $0x1  }
0x13: {  	[smem:$0x3FB7] =	sst s0;
	s0 =	simm.s32 @!p1 $0x0  }
0x14: {  	s2 =	sld [smem:$0x3F9B];
	s0 =	simm.s32 @p1 $0x1  }
0x15: {  	[smem:$0x3FB8] =	sst s0;
	s0 =	simm.s32 @!p2 $0x0  }
0x16: {  	s3 =	sld [smem:$0x3FDB];
	s0 =	simm.s32 @p2 $0x1  }
0x17: {  	s4 =	simm.s32 $0x1BF5;
	[smem:$0x3FBA] =	sst s0  }
0x18: {  	s0 =	sld [smem:$0x3F9D];
	_ =	swait.ge [sflag:s4], $0x0  }
0x19: {  	s7 =	sld [smem:$0x3F9E]  }
0x1a: {  	s8 =	sadd.s32 $0xFFFFE003, lr  }
0x1b: {  	s9 =	sadd.s32 $0xFFFFFEF7, lr;
	s5 =	simm.s32 $0xFFFFFFFF;
	p2 =	slt.u32 s8, $0xFFFFF086  }
0x1c: {  	p1 =	slt.u32 s9, $0xF7A;
	s5 =	simm.s32 @!p2 $0x0  }
0x1d: {  	s5 =	simm.s32 @p1 $0x1;
	p0 =	seq.s32 s7, s2  }
0x1e: {  	s7 =	smul.u32 @!p0 $0xF7A, s2;
	p2 =	seq.s32 @!p0 s5, $0x0  }
0x1f: {  	s9 =	smul.u32 $0xF7A, s1;
	s8 =	simm.s32 @!p0 $0x1BF5;
	p2 =	por !p2, p0  }
0x20: {  	[sflag:s8] =	ssyncset.s32 @!p0 $0xFFFFF086;
	s6 =	sadd.s32 @!p0 s3, s7;
	s7 =	simm.s32 @!p0 $0x108  }
0x21: {  	s3 =	sadd.s32 s3, s9;
	s6 =	sadd.s32 @!p0 $0x88, s6;
	s7 =	simm.s32 @p2 $0x1082  }
0x22: {  	[simem:s7], [sflag:s8] =	dma.local @!p0 [hbm:s6], $0xF7A  }
0x23: {  	s9 =	sor.u32 $0xD0000000, s2;
	s6 =	simm.s32 $0x108;
	_ =	swait.ge @!p0 [sflag:s8], $0x0  }
0x24: {  	s3 =	sadd.s32 $0x88, s3;
	s6 =	simm.s32 @!p1 $0x1082;
	[sflag:s4] =	ssyncset.s32 $0xFFFFF086  }
0x25: {  	[simem:s6], [sflag:s4] =	dma.local [hbm:s3], $0xF7A  }
0x26: {  	[smem:$0x3F9E] =	sst s1;
	(tag) =	ssettag s2;
	_ =	strace s9  }
0x27: {  	s1 =	sld [smem:$0x3FAE]  }
0x28: {  	s2 =	sld [smem:$0x3FAF]  }
0x29: {  	s4 =	sld [smem:$0x3FB1]  }
0x2a: {  	p0 =	seq.s32 s5, $0x0;
	s5 =	sld [smem:$0x3FB2]  }
0x2b: {  	s6 =	sld [smem:$0x3FB3]  }
0x2c: {  	s7 =	sld [smem:$0x3FB4]  }
0x2d: {  	s3 =	simm.s32 $0x108;
	s8 =	sld [smem:$0x3FB5]  }
0x2e: {  	s3 =	simm.s32 @!p0 $0x1082;
	s9 =	sld [smem:$0x3FB6]  }
0x2f: {  	lr =	sadd.s32 s0, s3;
	s0 =	sld [smem:$0x3FAD]  }
0x30: {  	s3 =	sld [smem:$0x3FB0]  }
0x31: {  	[smem:$0x3FB9] =	sst s10  }
0x32: {  	s10 =	sld [smem:$0x3FB7];
	_ =	sdelay $0x3  }
0x33: {  	p0 =	seq.s32 s10, $0x1;
	s10 =	sld [smem:$0x3FB9];
	_ =	sdelay $0x3  }
0x34: {  	[smem:$0x3FB9] =	sst s10  }
0x35: {  	s10 =	sld [smem:$0x3FB8];
	_ =	sdelay $0x3  }
0x36: {  	p1 =	seq.s32 s10, $0x1;
	s10 =	sld [smem:$0x3FB9];
	_ =	sdelay $0x3  }
0x37: {  	[smem:$0x3FB9] =	sst s10  }
0x38: {  	s10 =	sld [smem:$0x3FBA]  }
0x39: {  	_ = 	snop;
	(pc) =	sbr.ind lr, $3  }
0x3a: {  	_ = 	snop  }
0x3b: {  	_ = 	snop  }
0x3c: {  	p2 =	seq.s32 s10, $0x1;
	s10 =	sld [smem:$0x3FB9]  }
0x3d: {  	_ =	shalt  }
0x3e: {  	_ =	shalt  }
0x3f: {  	_ =	shalt  }
0x40: {  	_ =	shalt  }
0x41: {  	_ =	shalt  }
0x42: {  	_ =	shalt  }
0x43: {  	_ =	shalt  }
0x44: {  	_ =	shalt  }
0x45: {  	_ =	shalt  }
0x46: {  	_ =	shalt  }
0x47: {  	_ =	shalt  }
0x48: {  	_ =	shalt  }
0x49: {  	_ =	shalt  }
0x4a: {  	_ =	shalt  }
0x4b: {  	_ =	shalt  }
0x4c: {  	_ =	shalt  }
0x4d: {  	_ =	shalt  }
0x4e: {  	_ =	shalt  }
0x4f: {  	_ =	shalt  }
0x50: {  	_ =	shalt  }
0x51: {  	_ =	shalt  }
0x52: {  	_ =	shalt  }
0x53: {  	_ =	shalt  }
0x54: {  	_ =	shalt  }
0x55: {  	_ =	shalt  }
0x56: {  	_ =	shalt  }
0x57: {  	_ =	shalt  }
0x58: {  	_ =	shalt  }
0x59: {  	_ =	shalt  }
0x5a: {  	_ =	shalt  }
0x5b: {  	_ =	shalt  }
0x5c: {  	_ =	shalt  }
0x5d: {  	_ =	shalt  }
0x5e: {  	_ =	shalt  }
0x5f: {  	_ =	shalt  }
0x60: {  	_ =	shalt  }
0x61: {  	_ =	shalt  }
0x62: {  	_ =	shalt  }
0x63: {  	_ =	shalt  }
0x64: {  	_ =	shalt  }
0x65: {  	_ =	shalt  }
0x66: {  	_ =	shalt  }
0x67: {  	_ =	shalt  }
0x68: {  	_ =	shalt  }
0x69: {  	_ =	shalt  }
0x6a: {  	_ =	shalt  }
0x6b: {  	_ =	shalt  }
0x6c: {  	_ =	shalt  }
0x6d: {  	_ =	shalt  }
0x6e: {  	_ =	shalt  }
0x6f: {  	_ =	shalt  }
0x70: {  	_ =	shalt  }
0x71: {  	_ =	shalt  }
0x72: {  	_ =	shalt  }
0x73: {  	_ =	shalt  }
0x74: {  	_ =	shalt  }
0x75: {  	_ =	shalt  }
0x76: {  	_ =	shalt  }
0x77: {  	_ =	shalt  }
0x78: {  	_ =	shalt  }
0x79: {  	_ =	shalt  }
0x7a: {  	_ =	shalt  }
0x7b: {  	_ =	shalt  }
0x7c: {  	_ =	shalt  }
0x7d: {  	_ =	shalt  }
0x7e: {  	_ =	shalt  }
0x7f: {  	_ =	shalt  }
0x80: {  	_ =	shalt  }
0x81: {  	_ =	shalt  }
0x82: {  	_ =	shalt  }
0x83: {  	_ =	shalt  }
0x84: {  	_ =	shalt  }
0x85: {  	_ =	shalt  }
0x86: {  	_ =	shalt  }
0x87: {  	_ =	shalt  }
.Lfunc_end0:
.L_simem_size_0:
called_computation_lowered:
.L_overlay_start_0:
0x88: {  	s2 =	sld [smem:$0x3FD9]  }
0x89: {  	s3 =	sld [smem:$0x3FFE];
	_ =	sdelay $0x1  }
0x8a: {  	s1 =	srdreg.scid  }
0x8b: {  	s0 =	sand.u32 $0x1, s1  }
0x8c: {  	s17 =	sshll.u32 s0, $0xA;
	s2 =	sadd.s32 s3, s2  }
0x8d: {  	s2 =	sadd.s32 s2, s17  }
0x8e: {  	[smem:$0x3FC5] =	sst s2  }
0x8f: {  	_ = 	snop  }
0x90: {  	s2 =	sld [smem:$0x3FC9]  }
0x91: {  	s18 =	sld [smem:$0x3FC8]  }
0x92: {  	s4 =	sld [smem:$0x3FC7];
	(tm) =	ssettm $0x1  }
0x93: {  	s5 =	sld [smem:$0x3FFB];
	_ =	sdelay $0x3  }
0x94: {  	_ =	strace s5  }
0x95: {  	s5 =	sld [smem:$0x3FFC];
	_ =	sdelay $0x3  }
0x96: {  	_ =	strace s5  }
0x97: {  	s5 =	sld [smem:$0x3FFD];
	_ =	sdelay $0x3  }
0x98: {  	_ =	strace s5  }
0x99: {  	_ =	strace $0x8FFFFFFF  }
0x9a: {  	s19 =	sld [smem:$0x3FDB];
	_ =	sdelay $0x1  }
0x9b: {  	s6 =	simm.s32 $_scs_section_size  }
0x9c: {  	s7 =	simm.s32 $_size__tile_overlayer_lowered;
	s8 =	simm.s32 $_tile_overlayer_lowered  }
0x9d: {  	s22 =	simm.s32 $0x1BFF;
	s21 =	sshll.u32 s8, $0x1;
	s5 =	sadd.s32 s6, s19  }
0x9e: {  	s9 =	simm.s32 $0x0;
	s20 =	sshll.u32 s7, $0x1;
	s7 =	sadd.s32 s21, s5  }
0x9f: {  	[timem:s9], [sflag:s22] =	dma.local [hbm:s7], s20  }
0xa0: {  	_ =	swait.ge [sflag:s22], s20  }
0xa1: {  	s6 =	ssub.s32 $0x0, s20;
	[sflag:s22] =	ssyncset.done $0x0  }
0xa2: {  	[sflag:s22] =	ssyncadd.s32 s6;
	_ =	sdelay $0x1  }
0xa3: {  	s23 =	simm.s32 $0x1B8B  }
0xa4: {  	_ =	swait.ge [sflag:s23], $0x1  }
0xa5: {  	[sflag:s23] =	ssyncset.done $0x0  }
0xa6: {  	s25 =	simm.s32 $0x1B8E;
	s24 =	sld [smem:$0x3FFE];
	[sflag:s23] =	ssyncadd.s32 $0xFFFFFFFF  }
0xa7: {  	s26 =	simm.s32 $execute0_lowered;
	[smem:$0x3FD2] =	sst s25  }
0xa8: {  	s7 =	sshll.u32 s26, $0x1;
	_ =	strace $0x80000046;
	[dreg:$0x1] =	wrdreg $0xFFFFFFFF  }
0xa9: {  	s28 =	simm.s32 $_size_execute0_lowered;
	s5 =	sadd.s32 s5, s7;
	[dreg:$0x0] =	wrdreg $0x0  }
0xaa: {  	s7 =	sshll.u32 s28, $0x1;
	[dreg:$0x2] =	wrdreg s5  }
0xab: {  	[dreg:$0x3] =	wrdreg s7  }
0xac: {  	[dreg:$0x4] =	wrdreg $0xC0  }
0xad: {  	_ =	task [dreg:s9], $0x5FFFF  }
0xae: {  	[dreg:$0x1] =	wrdreg $0xFFFFFFFF  }
0xaf: {  	[dreg:$0x0] =	wrdreg $0x60  }
0xb0: {  	[dreg:$0x2] =	wrdreg s2  }
0xb1: {  	[dreg:$0x3] =	wrdreg s18  }
0xb2: {  	[dreg:$0x4] =	wrdreg s4  }
0xb3: {  	[dreg:$0x5] =	wrdreg s24  }
0xb4: {  	[dreg:$0x6] =	wrdreg $0x9  }
0xb5: {  	_ =	task.clear_ibuf [dreg:s9], $0x7FFFF;
	_ =	strace $0x90000046  }
0xb6: {  	s29 =	simm.s32 $0x9;
	_ =	strace $0x80000048  }
0xb7: {  	_ =	swait.ge [sflag:s29], $0x1  }
0xb8: {  	[sflag:s29] =	ssyncadd.s32 $0xFFFFFFFF  }
0xb9: {  	_ =	strace $0x90000048  }
0xba: {  	_ =	sfence  }
0xbb: {  	s30 =	sld [smem:$0x0];
	_ =	sdelay $0x2  }
0xbc: {  	s31 =	sshll.u32 s1, $0xD;
	s1 =	sshrl.u32 s1, $0x2  }
0xbd: {  	s3 =	sand.u32 $0x4000, s31;
	s1 =	sadd.s32 s1, s30  }
0xbe: {  	s0 =	sor.u32 s3, s0;
	s1 =	sshll.u32 s1, $0x11  }
0xbf: {  	s0 =	sor.u32 s1, s0  }
0xc0: {  	s0 =	sadd.s32 $0x8F2B, s0  }
0xc1: {  	[sflag:s0] =	ssyncadd.remote.s32 $0x1  }
0xc2: {  	_ =	sfence.sel $0xFFFF  }
0xc3: {  	[dreg:$0x0] =	wrdreg $0xFFFFFFFF;
	(pc) =	sbr.abs _section_cstart, $3  }
0xc4: {  	[dreg:$0x1] =	wrdreg $0xFFFFFFFF  }
0xc5: {  	_ =	task.clear_ibuf [dreg:s9], $0x2FFFF;
	_ =	strace $0x9FFFFFFF  }
0xc6: {  	(tm) =	ssettm $0x7FFFFFFF  }
0xc7: {  	_ =	shalt  }
tec
execute0_lowered:
.L_overlay_start_1:
0x0: {  	(tag) =	ssettag $0x1  }
0x1: {  	v0 =	vimm.s32 $0x480  }
0x2: {  	vm8 =	vcmask $0x300;
	vm7 =	vcmask $0x704;
	vm6 =	vcmask $0xB08  }
0x3: {  	vm5 =	vcmask $0xF0C;
	vm4 =	vcmask $0x1310;
	vm3 =	vcmask $0x1714  }
0x4: {  	vm2 =	vcmask $0x1B18;
	vm1 =	vcmask $0x1F1C;
	vm0 =	vcmask $0x2320  }
0x5: {  	v1 =	vimm.s32 $0x481;
	v2 =	vimm.s32 $0x482;
	v3 =	vimm.s32 $0x483  }
0x6: {  	v4 =	vimm.s32 $0x484;
	v5 =	vimm.s32 $0x485;
	v6 =	vimm.s32 $0x486  }
0x7: {  	v7 =	vimm.s32 $0x487;
	v8 =	vimm.s32 $0x488;
	v9 =	vimm.s32 $0x489  }
0x8: {  	v0 =	vsel vm8, $0x0, v0;
	v1 =	vsel vm8, $0x1, v1;
	v2 =	vsel vm8, $0x2, v2  }
0x9: {  	v3 =	vsel vm8, $0x3, v3;
	v4 =	vsel vm8, $0x4, v4;
	v5 =	vsel vm8, $0x5, v5  }
0xa: {  	v6 =	vsel vm8, $0x6, v6;
	v7 =	vsel vm8, $0x7, v7;
	v8 =	vsel vm8, $0x8, v8  }
0xb: {  	v9 =	vsel vm8, $0x9, v9;
	v0 =	vsel vm7, $0x80, v0;
	v1 =	vsel vm7, $0x81, v1  }
0xc: {  	v2 =	vsel vm7, $0x82, v2;
	v3 =	vsel vm7, $0x83, v3;
	v4 =	vsel vm7, $0x84, v4  }
0xd: {  	v5 =	vsel vm7, $0x85, v5;
	v6 =	vsel vm7, $0x86, v6;
	v7 =	vsel vm7, $0x87, v7  }
0xe: {  	v8 =	vsel vm7, $0x88, v8;
	v9 =	vsel vm7, $0x89, v9;
	v0 =	vsel vm6, $0x100, v0  }
0xf: {  	v1 =	vsel vm6, $0x101, v1;
	v2 =	vsel vm6, $0x102, v2;
	v3 =	vsel vm6, $0x103, v3  }
0x10: {  	v4 =	vsel vm6, $0x104, v4;
	v5 =	vsel vm6, $0x105, v5;
	v6 =	vsel vm6, $0x106, v6  }
0x11: {  	v7 =	vsel vm6, $0x107, v7;
	v8 =	vsel vm6, $0x108, v8;
	v9 =	vsel vm6, $0x109, v9  }
0x12: {  	v0 =	vsel vm5, $0x180, v0;
	v1 =	vsel vm5, $0x181, v1;
	v2 =	vsel vm5, $0x182, v2  }
0x13: {  	v3 =	vsel vm5, $0x183, v3;
	v4 =	vsel vm5, $0x184, v4;
	v5 =	vsel vm5, $0x185, v5  }
0x14: {  	v6 =	vsel vm5, $0x186, v6;
	v7 =	vsel vm5, $0x187, v7;
	v8 =	vsel vm5, $0x188, v8  }
0x15: {  	v9 =	vsel vm5, $0x189, v9;
	v0 =	vsel vm4, $0x200, v0;
	v1 =	vsel vm4, $0x201, v1  }
0x16: {  	v2 =	vsel vm4, $0x202, v2;
	v3 =	vsel vm4, $0x203, v3;
	v4 =	vsel vm4, $0x204, v4  }
0x17: {  	v5 =	vsel vm4, $0x205, v5;
	v6 =	vsel vm4, $0x206, v6;
	v7 =	vsel vm4, $0x207, v7  }
0x18: {  	v8 =	vsel vm4, $0x208, v8;
	v9 =	vsel vm4, $0x209, v9;
	v0 =	vsel vm3, $0x280, v0  }
0x19: {  	v1 =	vsel vm3, $0x281, v1;
	v2 =	vsel vm3, $0x282, v2;
	v3 =	vsel vm3, $0x283, v3  }
0x1a: {  	s4 =	rddreg [dreg:$0x0];
	v4 =	vsel vm3, $0x284, v4;
	v5 =	vsel vm3, $0x285, v5;
	v6 =	vsel vm3, $0x286, v6  }
0x1b: {  	s5 =	rddreg [dreg:$0x1];
	v7 =	vsel vm3, $0x287, v7;
	v8 =	vsel vm3, $0x288, v8;
	v9 =	vsel vm3, $0x289, v9  }
0x1c: {  	s0 =	rddreg [dreg:$0x2];
	v0 =	vsel vm2, $0x300, v0;
	v1 =	vsel vm2, $0x301, v1;
	v2 =	vsel vm2, $0x302, v2  }
0x1d: {  	s6 =	rddreg [dreg:$0x3];
	s2 =	srdreg.scid;
	s3 =	simm.s32 $0x0;
	v3 =	vsel vm2, $0x303, v3;
	v4 =	vsel vm2, $0x304, v4;
	v5 =	vsel vm2, $0x305, v5  }
0x1e: {  	s1 =	stileid.u32;
	s11 =	simm.s32 $0x3;
	s12 =	simm.s32 $0x1;
	v6 =	vsel vm2, $0x306, v6;
	v7 =	vsel vm2, $0x307, v7;
	v8 =	vsel vm2, $0x308, v8  }
0x1f: {  	s13 =	simm.s32 $0x2;
	s14 =	simm.s32 $0x9000;
	s15 =	simm.s32 $0x0;
	v9 =	vsel vm2, $0x309, v9;
	v0 =	vsel vm1, $0x380, v0;
	v1 =	vsel vm1, $0x381, v1  }
0x20: {  	s7 =	sand.u32 $0x1, s2;
	[smem:$0x7FF] =	sst s3;
	s10 =	sshll.u32 s1, $0x1;
	v2 =	vsel vm1, $0x382, v2;
	v3 =	vsel vm1, $0x383, v3;
	v4 =	vsel vm1, $0x384, v4  }
0x21: {  	s8 =	ssub.s32 $0x2, s7;
	_ =	strace $0x80000047;
	s7 =	sor.u32 s7, s10;
	v5 =	vsel vm1, $0x385, v5;
	v6 =	vsel vm1, $0x386, v6;
	v7 =	vsel vm1, $0x387, v7  }
0x22: {  	s9 =	sshrl.u32 s8, $0x1;
	s31 =	sshll.u32 s7, $0xB;
	s10 =	sshll.u32 s7, $0x8;
	v8 =	vsel vm1, $0x388, v8;
	v9 =	vsel vm1, $0x389, v9;
	v0 =	vsel vm0, $0x400, v0  }
0x23: {  	s7 =	sshll.u32 s7, $0x1;
	s8 =	ssub.s32 s8, s9;
	s4 =	sadd.s32 s4, s31;
	v1 =	vsel vm0, $0x401, v1;
	v2 =	vsel vm0, $0x402, v2;
	v3 =	vsel vm0, $0x403, v3  }
0x24: {  	s5 =	sadd.s32 s5, s10;
	s6 =	sadd.s32 s6, s7;
	s9 =	simm.s32 $0x80000;
	v4 =	vsel vm0, $0x404, v4;
	v5 =	vsel vm0, $0x405, v5;
	v6 =	vsel vm0, $0x406, v6  }
0x25: {  	s10 =	simm.s32 $0x8800;
	s7 =	smax.u32 s8, $0x1;
	s8 =	simm.s32 $0x4000;
	v7 =	vsel vm0, $0x407, v7;
	v8 =	vsel vm0, $0x408, v8;
	v9 =	vsel vm0, $0x409, v9  }
.LBB2_1:
0x26: {  	[tilespmem:s3], [sflag:$0x1] =	stream.strided.gather [hbm4b:s4+s8], $0x8000, s9, s8, $0x38;
	[tilespmem:$0x9080] =	vst v63  }
0x27: {  	s16 =	simm.s32 $0x8000  }
0x28: {  	[tilespmem:s16], [sflag:$0x2] =	stream.linear.gather [hbm4b:s5+s3], $0x800, $0x38;
	[tilespmem:$0x9080] =	vst v63  }
0x29: {  	_ = 	snop  }
0x2a: {  	[tilespmem:s10], [sflag:$0x3] =	stream.linear.gather [hbm4b:s0+s3], $0x500, $0x38;
	[tilespmem:$0x9080] =	vst v63  }
0x2b: {  	_ =	swait.ge [sflag:s11], $0x500  }
0x2c: {  	[sflag:s11] =	ssyncset.done $0x0  }
0x2d: {  	[sflag:s11] =	ssyncadd.s32 $0xFFFFFB00  }
0x2e: {  	v10 =	vld.idx.msk [tilespmem:v0+s10+$0x0], $0xffff  }
0x2f: {  	v11 =	vld.idx.msk [tilespmem:v1+s10+$0x0], $0xffff  }
0x30: {  	v12 =	vld.idx.msk [tilespmem:v2+s10+$0x0], $0xffff  }
0x31: {  	v13 =	vld.idx.msk [tilespmem:v3+s10+$0x0], $0xffff  }
0x32: {  	v14 =	vld.idx.msk [tilespmem:v4+s10+$0x0], $0xffff  }
0x33: {  	v15 =	vld.idx.msk [tilespmem:v5+s10+$0x0], $0xffff  }
0x34: {  	v16 =	vld.idx.msk [tilespmem:v6+s10+$0x0], $0xffff  }
0x35: {  	v18 =	vld.idx.msk [tilespmem:v7+s10+$0x0], $0xffff  }
0x36: {  	v20 =	vld.idx.msk [tilespmem:v8+s10+$0x0], $0xffff  }
0x37: {  	v21 =	vld.idx.msk [tilespmem:v9+s10+$0x0], $0xffff;
	_ =	swait.ge [sflag:s12], $0x8000  }
0x38: {  	[sflag:s12] =	ssyncset.done $0x0  }
0x39: {  	[sflag:s12] =	ssyncadd.s32 $0xFFFF8000  }
0x3a: {  	_ =	swait.ge [sflag:s13], $0x800  }
0x3b: {  	[sflag:s13] =	ssyncset.done $0x0;
	v10 =	vmul.f32 v10, v10  }
0x3c: {  	s17 =	sand.u32 $0x60, s3;
	s22 =	sand.u32 $0x3C00, s3;
	v11 =	vmul.f32 v11, v11;
	[sflag:s13] =	ssyncadd.s32 $0xFFFFF800;
	v12 =	vmul.f32 v12, v12  }
0x3d: {  	s19 =	sor.u32 s17, s22;
	v13 =	vmul.f32 v13, v13;
	v19 =	vmul.f32 v14, v14;
	v22 =	vld [tilespmem:s16+$0x0]  }
0x3e: {  	s18 =	sor.u32 $0x4080, s22;
	s21 =	sor.u32 $0x10, s17;
	v15 =	vmul.f32 v15, v15;
	v21 =	vmul.f32 v21, v21;
	v23 =	vld [tilespmem:s19+$0x0]  }
0x3f: {  	s20 =	sor.u32 s17, s18;
	s18 =	sor.u32 s21, s18;
	v24 =	vld [tilespmem:s19+$0x180];
	v10 =	vmul.f32 $1.525878910e-05, v10;
	v11 =	vmul.f32 $1.525878910e-05, v11  }
0x40: {  	v27 =	vld [tilespmem:s18+$0x0];
	v17 =	vmul.f32 $1.525878910e-05, v12;
	v14 =	vmul.f32 $1.525878910e-05, v13  }
0x41: {  	v28 =	vld [tilespmem:s19+$0x80];
	s16 =	sor.u32 $0x4000, s22;
	v12 =	vmul.f32 $1.525878910e-05, v15;
	v13 =	vmul.f32 v16, v16  }
0x42: {  	v29 =	vld [tilespmem:s19+$0x200];
	v15 =	vmul.f32 v18, v18;
	v18 =	vmul.f32 v20, v20;
	s25 =	sor.u32 s21, s16;
	s16 =	sor.u32 s17, s16  }
0x43: {  	v19 =	vmul.f32 $1.525878910e-05, v19;
	v40 =	vld [tilespmem:s16+$0x0];
	v20 =	vmul.f32 $1.525878910e-05, v13  }
0x44: {  	s23 =	sand.u32 $0x3, s3;
	v16 =	vmul.f32 $1.525878910e-05, v15;
	v15 =	vmul.f32 $1.525878910e-05, v18  }
0x45: {  	v25 =	vld [tilespmem:s20+$0x0];
	s20 =	sshll.u32 s23, $0x5;
	v13 =	vmul.f32 $1.525878910e-05, v21;
	v26 =	vshrl.u32 v22, $0x1B;
	v18 =	vmul.f32 v27, v27  }
0x46: {  	s24 =	sor.u32 s21, s22;
	s20 =	sadd.s32 $0x0, s20;
	v24 =	vmul.f32 v24, v24;
	v28 =	vmul.f32 v28, v28;
	v26 =	vand.u32 $0x10, v26  }
0x47: {  	v34 =	vld [tilespmem:s24+$0x80];
	s22 =	sor.u32 $0x380, s20;
	s29 =	sadd.s32 $0x10, s20;
	v48 =	vmul.f32 v29, v29;
	v21 =	vadd.s32 v22, v26;
	v22 =	vmul.f32 v23, v23  }
0x48: {  	v38 =	vld [tilespmem:s22+$0x0];
	s30 =	sor.u32 $0x300, s29;
	v42 =	vmul.f32 v40, v40;
	v30 =	vperm.xlane v16, v21  }
0x49: {  	v59 =	vld [tilespmem:s30+$0x0];
	v31 =	vperm.xlane v12, v21;
	v23 =	vperm.xlane v15, v21  }
0x4a: {  	v39 =	vld [tilespmem:s25+$0x0];
	v27 =	vperm.xlane v10, v21;
	v37 =	vperm.xlane v17, v21  }
0x4b: {  	s26 =	sand.u32 $0x780, s3;
	v26 =	vld [tilespmem:s19+$0x280];
	v46 =	vperm.xlane v20, v21;
	v33 =	vperm.xlane v14, v21  }
0x4c: {  	s28 =	sor.u32 s21, s26;
	v36 =	vld [tilespmem:s19+$0x100];
	v35 =	vperm.xlane v13, v21;
	v45 =	vperm.xlane v11, v21  }
0x4d: {  	v41 =	vld [tilespmem:s28+$0x8000];
	s16 =	sor.u32 $0x380, s29;
	v43 =	vperm.xlane v19, v21;
	v21 =	vmul.f32 v25, v25  }
0x4e: {  	v44 =	vld [tilespmem:s16+$0x0];
	v38 =	vmul.f32 v38, v38;
	v62 =	vmul.f32 v59, v59  }
0x4f: {  	v47 =	vld [tilespmem:s24+$0x200];
	v35 =	vmul.f32 v35, v21;
	v21 =	vmul.f32 v39, v39  }
0x50: {  	v32 =	vld [tilespmem:s24+$0x100];
	s31 =	sor.u32 $0x300, s20;
	v60 =	vmul.f32 v33, v24;
	v26 =	vmul.f32 v26, v26  }
0x51: {  	v49 =	vld [tilespmem:s31+$0x0];
	v24 =	vmul.f32 v30, v38;
	v30 =	vmul.f32 v36, v36  }
0x52: {  	v29 =	vshrl.u32 v41, $0x1B;
	v38 =	vmul.f32 v34, v34;
	v25 =	vmul.f32 v31, v26;
	v31 =	vld [tilespmem:s24+$0x280]  }
0x53: {  	v61 =	vand.u32 $0x10, v29;
	v34 =	vmul.f32 v44, v44;
	v48 =	vmul.f32 v43, v48  }
0x54: {  	v33 =	vimm.f32 $0.0e+00;
	v43 =	vmul.f32 v47, v47;
	v47 =	vmul.f32 v45, v28  }
0x55: {  	v36 =	vimm.f32 $0.0e+00;
	v28 =	vimm.f32 $0.0e+00;
	v37 =	vmul.f32 v37, v30  }
0x56: {  	v40 =	vadd.f32 v48, v33;
	v48 =	vld [tilespmem:s24+$0x0];
	v26 =	vmul.f32 v32, v32;
	v32 =	vadd.f32 v25, v33  }
0x57: {  	v45 =	vld [tilespmem:s24+$0x180];
	v25 =	vmul.f32 v49, v49;
	v29 =	vmul.f32 v31, v31;
	v31 =	vadd.s32 v41, v61  }
0x58: {  	v24 =	vadd.f32 v24, v33;
	v30 =	vadd.f32 v60, v33;
	v63 =	vperm.xlane v20, v31  }
0x59: {  	s18 =	simm.s32 $0x100;
	s17 =	simm.s32 $0x8020;
	v39 =	vadd.f32 v37, v33;
	v37 =	vimm.f32 $0.0e+00;
	v46 =	vmul.f32 v46, v25  }
0x5a: {  	s20 =	simm.s32 $0x20;
	s16 =	simm.s32 $0x0;
	s19 =	simm.s32 $0x1;
	v25 =	vimm.f32 $0.0e+00;
	v41 =	vperm.xlane v19, v31;
	v44 =	vmul.f32 v63, v62  }
.LBB2_2:
0x5b: {  	s21 =	sand.u32 $0x3, s19;
	s22 =	sand.u32 $0x60, s20;
	v49 =	vld [tilespmem:s17+$0x0];
	s29 =	sand.u32 $0x3C00, s18;
	v42 =	vmul.f32 v23, v42;
	v33 =	vadd.f32 v35, v33;
	v23 =	vmul.f32 v48, v48  }
0x5c: {  	v22 =	vmul.f32 v27, v22;
	v35 =	vmul.f32 v45, v45;
	s21 =	sshll.u32 s21, $0x5;
	s24 =	sor.u32 s22, s29;
	s30 =	sor.u32 $0x4000, s29;
	v27 =	vadd.f32 v47, v36  }
0x5d: {  	s28 =	sand.u32 $0x780, s20;
	v45 =	vperm.xlane v11, v31;
	s31 =	sor.u32 $0x4080, s29;
	v25 =	vadd.f32 v46, v25;
	v46 =	vperm.xlane v17, v31;
	s25 =	sadd.s32 s21, s18;
	v36 =	vld [tilespmem:s24+$0x0]  }
0x5e: {  	v48 =	vperm.xlane v14, v31;
	v50 =	vperm.xlane v12, v31;
	s1 =	sor.u32 s22, s31;
	v37 =	vadd.f32 v22, v37;
	v47 =	vld [tilespmem:s24+$0x180];
	s21 =	sor.u32 $0x300, s25;
	s23 =	sor.u32 $0x380, s25  }
0x5f: {  	s16 =	sadd.s32 $0x2, s16;
	s26 =	sor.u32 s22, s30;
	v22 =	vperm.xlane v10, v31;
	v25 =	vadd.f32 v44, v25;
	v44 =	vperm.xlane v16, v31;
	v51 =	vld [tilespmem:s1+$0x0];
	s1 =	sor.u32 $0x10, s22  }
0x60: {  	v41 =	vmul.f32 v41, v43;
	v38 =	vmul.f32 v45, v38;
	s2 =	sadd.s32 $0x10, s25;
	v52 =	vshrl.u32 v49, $0x1B;
	v53 =	vld [tilespmem:s24+$0x80];
	s28 =	sor.u32 s1, s28;
	s22 =	sor.u32 s1, s31  }
0x61: {  	v54 =	vperm.xlane v15, v31;
	p0 =	slt.u32 s16, $0x7E;
	s25 =	sor.u32 $0x300, s2;
	s30 =	sor.u32 s1, s30;
	v43 =	vand.u32 $0x10, v52;
	v45 =	vld [tilespmem:s22+$0x0];
	v52 =	vmul.f32 v22, v23  }
0x62: {  	s22 =	sor.u32 s1, s29;
	s1 =	sor.u32 $0x380, s2;
	v23 =	vmul.f32 v46, v26;
	v43 =	vadd.s32 v49, v43;
	v22 =	vmul.f32 v36, v36;
	v49 =	vld [tilespmem:s24+$0x200]  }
0x63: {  	v36 =	vadd.f32 v38, v27;
	v27 =	vperm.xlane v13, v31;
	v26 =	vld [tilespmem:s24+$0x280];
	v46 =	vperm.xlane v16, v43  }
0x64: {  	v34 =	vmul.f32 v44, v34;
	v31 =	vperm.xlane v12, v43;
	v39 =	vadd.f32 v23, v39;
	v38 =	vld [tilespmem:s22+$0x100]  }
0x65: {  	v40 =	vadd.f32 v41, v40;
	v23 =	vperm.xlane v15, v43;
	v41 =	vmul.f32 v27, v18;
	v44 =	vld [tilespmem:s22+$0x80]  }
0x66: {  	v28 =	vadd.f32 v42, v28;
	v29 =	vmul.f32 v50, v29;
	v55 =	vld [tilespmem:s24+$0x100];
	v18 =	vmul.f32 v45, v45  }
0x67: {  	v35 =	vmul.f32 v48, v35;
	v37 =	vadd.f32 v52, v37;
	v27 =	vperm.xlane v10, v43;
	v42 =	vld [tilespmem:s30+$0x0]  }
0x68: {  	v21 =	vmul.f32 v54, v21;
	v32 =	vadd.f32 v29, v32;
	v48 =	vperm.xlane v17, v43;
	v50 =	vld [tilespmem:s22+$0x280]  }
0x69: {  	v30 =	vadd.f32 v35, v30;
	v29 =	vmul.f32 v47, v47;
	v52 =	vperm.xlane v20, v43;
	v47 =	vld [tilespmem:s26+$0x0]  }
0x6a: {  	v54 =	vperm.xlane v14, v43;
	v35 =	vperm.xlane v13, v43;
	v33 =	vadd.f32 v41, v33;
	v56 =	vld [tilespmem:s23+$0x0]  }
0x6b: {  	v24 =	vadd.f32 v34, v24;
	v57 =	vperm.xlane v11, v43;
	v26 =	vmul.f32 v26, v26;
	v41 =	vld [tilespmem:s28+$0x8000]  }
0x6c: {  	v28 =	vadd.f32 v21, v28;
	v43 =	vperm.xlane v19, v43;
	v34 =	vmul.f32 v51, v51;
	v51 =	vld [tilespmem:s22+$0x200]  }
0x6d: {  	v58 =	vmul.f32 v31, v26;
	v26 =	vmul.f32 v38, v38;
	v59 =	vld [tilespmem:s25+$0x0]  }
0x6e: {  	v53 =	vmul.f32 v53, v53;
	v35 =	vmul.f32 v35, v34;
	v45 =	vld [tilespmem:s22+$0x180]  }
0x6f: {  	v21 =	vmul.f32 v42, v42;
	v31 =	vmul.f32 v56, v56;
	v34 =	vld [tilespmem:s1+$0x0]  }
0x70: {  	v54 =	vmul.f32 v54, v29;
	v49 =	vmul.f32 v49, v49;
	v29 =	vshrl.u32 v41, $0x1B  }
0x71: {  	v42 =	vmul.f32 v47, v47;
	v56 =	vld [tilespmem:s21+$0x0];
	v46 =	vmul.f32 v46, v31;
	v29 =	vand.u32 $0x10, v29  }
0x72: {  	v38 =	vmul.f32 v44, v44;
	v47 =	vmul.f32 v55, v55  }
0x73: {  	v31 =	vadd.s32 v41, v29;
	v29 =	vmul.f32 v50, v50;
	v44 =	vmul.f32 v59, v59  }
.Ltmp0:
0x74: {  	v47 =	vmul.f32 v48, v47;
	v24 =	vadd.f32 v46, v24;
	v48 =	vld [tilespmem:s22+$0x0];
	v34 =	vmul.f32 v34, v34;
	(pc) =	sbr.rel @p0 .LBB2_2-.Ltmp0, $4  }
0x75: {  	v30 =	vadd.f32 v54, v30;
	v41 =	vperm.xlane v19, v31;
	v46 =	vperm.xlane v20, v31  }
0x76: {  	v49 =	vmul.f32 v43, v49;
	v32 =	vadd.f32 v58, v32;
	v50 =	vmul.f32 v56, v56  }
0x77: {  	s17 =	sadd.s32 $0x20, s17;
	v43 =	vmul.f32 v51, v51;
	v39 =	vadd.f32 v47, v39;
	v44 =	vmul.f32 v46, v44  }
0x78: {  	s19 =	sadd.s32 $0x1, s19;
	s20 =	sadd.s32 $0x20, s20;
	s18 =	sadd.s32 $0x100, s18;
	v40 =	vadd.f32 v49, v40;
	v47 =	vmul.f32 v57, v53;
	v46 =	vmul.f32 v52, v50  }
0x79: {  	v19 =	vmul.f32 v48, v48;
	v20 =	vmul.f32 v27, v22  }
0x7a: {  	v11 =	vperm.xlane v11, v31;
	v10 =	vperm.xlane v10, v31  }
0x7b: {  	v17 =	vperm.xlane v17, v31;
	v56 =	vadd.f32 v47, v36  }
0x7c: {  	v20 =	vadd.f32 v20, v37;
	v11 =	vmul.f32 v11, v38;
	v10 =	vmul.f32 v10, v19  }
0x7d: {  	v57 =	vmul.f32 v45, v45;
	v14 =	vperm.xlane v14, v31  }
0x7e: {  	v17 =	vmul.f32 v17, v26;
	v11 =	vadd.f32 v11, v56;
	v10 =	vadd.f32 v10, v20;
	_ =	sdelay $0x1  }
0x7f: {  	v14 =	vmul.f32 v14, v57;
	v17 =	vadd.f32 v17, v39;
	v10 =	vadd.f32 v11, v10  }
0x80: {  	v58 =	vmul.f32 v41, v43  }
0x81: {  	v14 =	vadd.f32 v14, v30;
	v11 =	vperm.xlane v12, v31;
	v10 =	vadd.f32 v17, v10;
	_ =	sdelay $0x1  }
0x82: {  	v12 =	vadd.f32 v58, v40;
	v11 =	vmul.f32 v11, v29;
	v10 =	vadd.f32 v14, v10  }
0x83: {  	v16 =	vperm.xlane v16, v31;
	v59 =	vadd.f32 v46, v25  }
0x84: {  	v11 =	vadd.f32 v11, v32;
	v10 =	vadd.f32 v12, v10  }
0x85: {  	v15 =	vperm.xlane v15, v31;
	v16 =	vmul.f32 v16, v34  }
0x86: {  	v60 =	vmul.f32 v23, v42;
	v14 =	vadd.f32 v44, v59;
	v10 =	vadd.f32 v11, v10  }
0x87: {  	v61 =	vmul.f32 v15, v21;
	v62 =	vadd.f32 v16, v24  }
0x88: {  	v12 =	vadd.f32 v60, v28;
	v11 =	vperm.xlane v13, v31;
	v10 =	vadd.f32 v14, v10  }
0x89: {  	v63 =	vadd.f32 v35, v33  }
0x8a: {  	v12 =	vadd.f32 v61, v12;
	v11 =	vmul.f32 v11, v18;
	v10 =	vadd.f32 v62, v10;
	_ =	sdelay $0x1  }
0x8b: {  	v11 =	vadd.f32 v11, v63;
	v10 =	vadd.f32 v12, v10;
	_ =	sdelay $0x1  }
0x8c: {  	s15 =	sadd.s32 $0x1, s15;
	v10 =	vadd.f32 v11, v10  }
0x8d: {  	p0 =	sne.s32 s15, s7  }
.Ltmp1:
0x8e: {  	[tilespmem:$0x9000] =	vst v10;
	(pc) =	sbr.rel @p0 .LBB2_1-.Ltmp1, $4  }
0x8f: {  	[hbm4b:s6+s3] =	stream.linear.scatter [tilespmem:s14], [sflag:$0x3], $0x10, $0x38;
	[tilespmem:$0x9080] =	vst v63  }
0x90: {  	_ =	swait.ge [sflag:s11], $0x10  }
0x91: {  	[sflag:s11] =	ssyncset.done $0x0  }
0x92: {  	[sflag:s11] =	ssyncadd.s32 $0xFFFFFFF0  }
0x93: {  	_ =	sfence.sel $0x180000  }
0x94: {  	[bflag:$0x0] =	sbarrier.arrive $0xFFFF  }
0x95: {  	_ =	strace $0x90000047  }
0x96: {  	s0 =	stileid.u32;
	[bflag:$0x2] =	sbarrier.arrive $0xFFFF  }
0x97: {  	p0 =	sne.s32 s0, $0x0;
	s0 =	rddreg [dreg:$0x4]  }
0x98: {  	s0 =	sadd.s32 @!p0 $0x100000, s0  }
0x99: {  	[sflag:s0] =	ssyncadd.tile.s32 @!p0 $0x1;
	_ =	shalt  }
.Lfunc_end2:
_tile_overlayer_lowered:
.L_overlay_start_2:
0x9a: {  	(tag) =	ssettag $0x2  }
0x9b: {  	s0 =	rddreg [dreg:$0x0];
	s2 =	stileid.u32  }
0x9c: {  	s1 =	rddreg [dreg:$0x1];
	p0 =	sne.s32 s2, $0x0  }
0x9d: {  	s3 =	rddreg [dreg:$0x2];
	[bflag:$0x3] =	sbarrier.arrive $0xFFFF;
	s2 =	simm.s32 @!p0 $0x1C03  }
0x9e: {  	[timem:s3], [sflag:s2] =	dma.local @!p0 [hbm:s0], s1  }
0x9f: {  	s0 =	simm.s32 @!p0 $0x3  }
0xa0: {  	_ =	swait.ge @!p0 [sflag:s0], s1  }
0xa1: {  	s1 =	ssub.s32 @!p0 $0x0, s1;
	[sflag:s0] =	ssyncset.done @!p0 $0x0  }
0xa2: {  	[sflag:s0] =	ssyncadd.s32 @!p0 s1  }
0xa3: {  	[bflag:$0x3] =	sbarrier.arrive $0xFFFF  }
0xa4: {  	_ =	shalt  }

</sc_bundles>
